<compile_context>
chip_gen: v7x
topology: tpu7x:2x2x1
jax: 0.10.2.dev20260603
libtpu: 0.0.44.dev20260713+nightly
codegen_flags: <defaults>
</compile_context>

<pallas_src>
import functools

import jax
import jax.numpy as jnp
from jax import lax
from jax.experimental import pallas as pl
from jax.experimental.pallas import tpu as pltpu
from jax.experimental.pallas import tpu_sc as plsc

B = 16384
NC, NS, L = 1, 16, 16
NW = NC * NS
BPW = B // NW
CHUNKS = BPW // L
TPAD = 32
NROWS = 21

_MAGIC = 0x5F3759DF


def _rsqrt(x):
    i = plsc.bitcast(x, jnp.int32)
    i = jnp.int32(_MAGIC) - lax.shift_right_logical(i, 1)
    y = plsc.bitcast(i, jnp.float32)
    half = jnp.float32(0.5) * x
    for _ in range(3):
        y = y * (jnp.float32(1.5) - half * y * y)
    return y


def _sc_body(idx_hbm, tab_hbm, out_hbm, idx_v, tab_v, sim_v, out_v, sem):
    wid = lax.axis_index("s") * NC + lax.axis_index("c")
    base = wid * BPW
    idx_cp = pltpu.async_copy(idx_hbm.at[:, pl.ds(base, BPW)], idx_v, sem)
    pltpu.sync_copy(tab_hbm, tab_v.at[pl.ds(0, 3 * NROWS)])

    lane = lax.iota(jnp.int32, L)
    mask0 = jnp.where(lane != 0, jnp.float32(1.0), jnp.float32(0.0))

    def pre(q, _):
        qv = jnp.zeros((L,), jnp.int32) + q
        zq = [plsc.load_gather(tab_v, [qv + d * NROWS]) for d in range(3)]
        for half in range(2):
            off = half * L
            d2 = jnp.zeros((L,), jnp.float32)
            for d in range(3):
                zr = tab_v[pl.ds(d * NROWS + off, L)]
                diff = zq[d] - zr
                d2 = d2 + diff * diff
            dist = d2 * _rsqrt(d2)
            s = jnp.exp(jnp.float32(-10.0) * dist)
            if half == 0:
                s = s * mask0
            sim_v[pl.ds(q * TPAD + off, L)] = s
        return 0

    lax.fori_loop(0, NROWS, pre, 0)
    idx_cp.wait()

    def chunk(i, _):
        off = i * L
        iq = idx_v[0, pl.ds(off, L)]
        qb = iq * TPAD
        s_all = []
        denom = jnp.zeros((L,), jnp.float32)
        for j in range(1, 5):
            ir = idx_v[j, pl.ds(off, L)]
            s = plsc.load_gather(sim_v, [qb + ir])
            s_all.append(s)
            denom = denom + s
        inv = jnp.float32(1.0) / jnp.maximum(denom, jnp.float32(1e-12))
        for j in range(4):
            out_v[j, pl.ds(off, L)] = s_all[j] * inv
        return 0

    lax.fori_loop(0, CHUNKS, chunk, 0)
    pltpu.sync_copy(out_v, out_hbm.at[:, pl.ds(base, BPW)])


@functools.partial(jax.jit, static_argnames=())
def kernel(given4rank1_stimulus_set, percept_table):
    idx_cm = given4rank1_stimulus_set.astype(jnp.int32).T
    tab_cm = percept_table.astype(jnp.float32).T.reshape(-1)

    mesh = plsc.VectorSubcoreMesh(
        core_axis_name="c", subcore_axis_name="s", num_cores=NC, num_subcores=NS
    )
    out = pl.kernel(
        _sc_body,
        out_type=jax.ShapeDtypeStruct((4, B), jnp.float32),
        mesh=mesh,
        scratch_types=[
            pltpu.VMEM((5, BPW), jnp.int32),
            pltpu.VMEM((80,), jnp.float32),
            pltpu.VMEM((TPAD * TPAD,), jnp.float32),
            pltpu.VMEM((4, BPW), jnp.float32),
            pltpu.SemaphoreType.DMA,
        ],
        compiler_params=pltpu.CompilerParams(needs_layout_passes=False),
    )(idx_cm, tab_cm)
    return out.T

# --- scband reference (transcript-rebuilt; emitter-appended) ---
"""Pipeline reference for scband-rank-model-a-19250043421192 (READ-ONLY COPY).

The authoritative reference and input builder live on the scoring server;
editing this copy changes nothing except your own understanding.
"""

import jax, jax.numpy as jnp
import numpy as np

B = 16384
N_STIMULI = 20
N_DIM = 3


def setup_inputs(seed: int = 0) -> dict:
    key = jax.random.key(seed)
    k1, k2 = jax.random.split(key)
    # indices in [0, 21); 0 is the mask token (mask_zero=True)
    idx = jax.random.randint(k1, (B, 5), 0, N_STIMULI + 1)
    # learned embedding table: (n_stimuli + 1, n_dim)
    percept_table = jax.random.normal(k2, (N_STIMULI + 1, N_DIM), dtype=jnp.float32)
    return {"given4rank1_stimulus_set": idx, "percept_table": percept_table}


def reference(given4rank1_stimulus_set, percept_table):
    idx = given4rank1_stimulus_set
    # percept: embedding lookup (mask_zero=True -> row 0 is padding)
    z = jnp.take(percept_table, idx, axis=0)  # [B, 5, n_dim]
    # split along stimuli axis: query vs references
    z_q = z[:, :1, :]   # [B, 1, n_dim]
    z_r = z[:, 1:, :]   # [B, 4, n_dim]
    # Minkowski distance, rho=2, w=1 (non-trainable constants)
    rho = 2.0
    w = jnp.ones((N_DIM,), dtype=jnp.float32)
    d = jnp.power(jnp.sum(w * jnp.power(jnp.abs(z_q - z_r), rho), axis=-1), 1.0 / rho)  # [B, 4]
    # ExponentialSimilarity activation: s = exp(-beta * d^tau) + gamma
    beta, tau, gamma = 10.0, 1.0, 0.0
    s = jnp.exp(-beta * jnp.power(d, tau)) + gamma  # [B, 4]
    # SoftRank(n_select=1): Plackett-Luce with single selection ->
    # normalized similarity over (unmasked) reference stimuli
    mask = (idx[:, 1:] != 0).astype(s.dtype)
    s = s * mask
    denom = jnp.sum(s, axis=-1, keepdims=True)
    prob = s / jnp.maximum(denom, 1e-12)
    return prob


if False:  # reference __main__ guard neutralized (emitter)
    out = reference(**setup_inputs())
    print(out.shape, out.dtype)

if __name__ == "__main__":
    import jax
    _d = setup_inputs()
    print(jax.jit(kernel)(*tuple(_d.values())))

</pallas_src>

<mosaic_0001>
#map = affine_map<(d0, d1) -> (0, 0)>
#map1 = affine_map<(d0, d1) -> (0)>
module attributes {stable_mosaic.version = 14 : i64} {
  func.func @_sc_body(%arg0: i32, %arg1: i32, %arg2: memref<5x16384xi32, #tpu.memory_space<hbm>>, %arg3: memref<63xf32, #tpu.memory_space<hbm>>, %arg4: memref<4x16384xf32, #tpu.memory_space<hbm>>, %arg5: memref<5x1024xi32, #tpu.memory_space<vmem>>, %arg6: memref<80xf32, #tpu.memory_space<vmem>>, %arg7: memref<1024xf32, #tpu.memory_space<vmem>>, %arg8: memref<4x1024xf32, #tpu.memory_space<vmem>>, %arg9: memref<!tpu.dma_semaphore, #tpu.memory_space<semaphore_mem>>) attributes {dimension_semantics = [#tpu.dimension_semantics<core_parallel>, #tpu.dimension_semantics<subcore_parallel>], iteration_bounds = array<i64: 1, 16>, scalar_prefetch = 0 : i64, scratch_operands = 5 : i64, tpu.core_type = #tpu.core_type<sc_vector_subcore>, window_params = [{transform_indices = #map}, {transform_indices = #map1}, {transform_indices = #map}]} {
    %mul3A = arith.constant 1 : i32
    %mul3A_0 = arith.muli %arg1, %mul3A : i32
    %add3A = arith.addi %mul3A_0, %arg0 : i32
    %mul3A_1 = arith.constant 1024 : i32
    %mul3A_2 = arith.muli %add3A, %mul3A_1 : i32
    %dma_start3A = arith.constant 0 : i32
    %dma_start3A_3 = tpu.memref_slice %arg2[%dma_start3A, %mul3A_2] : memref<5x16384xi32, #tpu.memory_space<hbm>> -> memref<5x1024xi32, #tpu.memory_space<hbm>>
    %dma_start3A_4 = arith.constant 0 : i32
    %dma_start3A_5 = tpu.memref_slice %arg2[%dma_start3A_4, %mul3A_2] : memref<5x16384xi32, #tpu.memory_space<hbm>> -> memref<5x1024xi32, #tpu.memory_space<hbm>>
    tpu.enqueue_dma source(%dma_start3A_5 : memref<5x1024xi32, #tpu.memory_space<hbm>>) target(%arg5 : memref<5x1024xi32, #tpu.memory_space<vmem>>) target_semaphore(%arg9 : memref<!tpu.dma_semaphore, #tpu.memory_space<semaphore_mem>>)
    "tpu.region"() ({
      %run_scoped3A = tpu.sem_alloc : memref<!tpu.dma_semaphore, #tpu.memory_space<semaphore_mem>>
      %dma_start3A_26 = arith.constant 0 : i32
      %dma_start3A_27 = tpu.memref_slice %arg6[%dma_start3A_26] : memref<80xf32, #tpu.memory_space<vmem>> -> memref<63xf32, #tpu.memory_space<vmem>>
      %dma_start3A_28 = arith.constant 0 : i32
      %dma_start3A_29 = tpu.memref_slice %arg6[%dma_start3A_28] : memref<80xf32, #tpu.memory_space<vmem>> -> memref<63xf32, #tpu.memory_space<vmem>>
      tpu.enqueue_dma source(%arg3 : memref<63xf32, #tpu.memory_space<hbm>>) target(%dma_start3A_29 : memref<63xf32, #tpu.memory_space<vmem>>) target_semaphore(%run_scoped3A : memref<!tpu.dma_semaphore, #tpu.memory_space<semaphore_mem>>)
      %dma_wait3A_30 = arith.constant 0 : i32
      %dma_wait3A_31 = tpu.memref_slice %arg6[%dma_wait3A_30] : memref<80xf32, #tpu.memory_space<vmem>> -> memref<63xf32, #tpu.memory_space<vmem>>
      %dma_wait3A_32 = arith.constant 0 : i32
      %dma_wait3A_33 = tpu.memref_slice %arg6[%dma_wait3A_32] : memref<80xf32, #tpu.memory_space<vmem>> -> memref<63xf32, #tpu.memory_space<vmem>>
      tpu.wait_dma2 semaphore(%run_scoped3A : memref<!tpu.dma_semaphore, #tpu.memory_space<semaphore_mem>>) src(%arg3 : memref<63xf32, #tpu.memory_space<hbm>>) dst(%dma_wait3A_33 : memref<63xf32, #tpu.memory_space<vmem>>)
      tpu.yield
    }) : () -> ()
    %iota3A = tpu.iota {dimensions = array<i32: 0>} : vector<16xi32>
    %ne3A = arith.constant 0 : i32
    %ne3A_6 = vector.broadcast %ne3A : i32 to vector<16xi32>
    %ne3A_7 = arith.cmpi ne, %iota3A, %ne3A_6 : vector<16xi32>
    %jit3A = arith.constant 1.000000e+00 : f32
    %jit3A_8 = arith.constant 0.000000e+00 : f32
    %broadcast_in_dim3A = vector.broadcast %jit3A : f32 to vector<16xf32>
    %broadcast_in_dim3A_9 = vector.broadcast %jit3A_8 : f32 to vector<16xf32>
    %select_n3A = arith.select %ne3A_7, %broadcast_in_dim3A, %broadcast_in_dim3A_9 : vector<16xi1>, vector<16xf32>
    %scan3A = arith.constant 0 : i32
    %scan3A_10 = arith.constant 0 : i32
    %scan3A_11 = arith.constant 21 : i32
    %scan3A_12 = arith.addi %scan3A_10, %scan3A_11 : i32
    %scan3A_13 = arith.constant 1 : i32
    %scan3A_14 = scf.for %scan3A_26 = %scan3A_10 to %scan3A_12 step %scan3A_13 iter_args(%scan3A_27 = %scan3A) -> (i32)  : i32 {
      %broadcast_in_dim3A_28 = arith.constant 0 : i32
      %broadcast_in_dim3A_29 = vector.broadcast %broadcast_in_dim3A_28 : i32 to vector<16xi32>
      %add3A_30 = vector.broadcast %scan3A_26 : i32 to vector<16xi32>
      %add3A_31 = arith.addi %broadcast_in_dim3A_29, %add3A_30 : vector<16xi32>
      %add3A_32 = arith.constant 0 : i32
      %add3A_33 = vector.broadcast %add3A_32 : i32 to vector<16xi32>
      %add3A_34 = arith.addi %add3A_31, %add3A_33 : vector<16xi32>
      %gather3A = tpu.vector_load_idx %arg6[%add3A_34] : memref<80xf32, #tpu.memory_space<vmem>>[vector<16xi32>], vector<16xf32>,
      %add3A_35 = arith.constant 21 : i32
      %add3A_36 = vector.broadcast %add3A_35 : i32 to vector<16xi32>
      %add3A_37 = arith.addi %add3A_31, %add3A_36 : vector<16xi32>
      %gather3A_38 = tpu.vector_load_idx %arg6[%add3A_37] : memref<80xf32, #tpu.memory_space<vmem>>[vector<16xi32>], vector<16xf32>,
      %add3A_39 = arith.constant 42 : i32
      %add3A_40 = vector.broadcast %add3A_39 : i32 to vector<16xi32>
      %add3A_41 = arith.addi %add3A_31, %add3A_40 : vector<16xi32>
      %gather3A_42 = tpu.vector_load_idx %arg6[%add3A_41] : memref<80xf32, #tpu.memory_space<vmem>>[vector<16xi32>], vector<16xf32>,
      %broadcast_in_dim3A_43 = arith.constant 0.000000e+00 : f32
      %broadcast_in_dim3A_44 = vector.broadcast %broadcast_in_dim3A_43 : f32 to vector<16xf32>
      %get3A = arith.constant 0 : index
      %get3A_45 = tpu.vector_load %arg6[%get3A] {strides = array<i32>} : memref<80xf32, #tpu.memory_space<vmem>>, vector<16xf32>,
      %sub3A = arith.subf %gather3A, %get3A_45 : vector<16xf32>
      %mul3A_46 = arith.mulf %sub3A, %sub3A : vector<16xf32>
      %add3A_47 = arith.addf %broadcast_in_dim3A_44, %mul3A_46 : vector<16xf32>
      %get3A_48 = arith.constant 21 : index
      %get3A_49 = tpu.vector_load %arg6[%get3A_48] {strides = array<i32>} : memref<80xf32, #tpu.memory_space<vmem>>, vector<16xf32>,
      %sub3A_50 = arith.subf %gather3A_38, %get3A_49 : vector<16xf32>
      %mul3A_51 = arith.mulf %sub3A_50, %sub3A_50 : vector<16xf32>
      %add3A_52 = arith.addf %add3A_47, %mul3A_51 : vector<16xf32>
      %get3A_53 = arith.constant 42 : index
      %get3A_54 = tpu.vector_load %arg6[%get3A_53] {strides = array<i32>} : memref<80xf32, #tpu.memory_space<vmem>>, vector<16xf32>,
      %sub3A_55 = arith.subf %gather3A_42, %get3A_54 : vector<16xf32>
      %mul3A_56 = arith.mulf %sub3A_55, %sub3A_55 : vector<16xf32>
      %add3A_57 = arith.addf %add3A_52, %mul3A_56 : vector<16xf32>
      %bitcast3A = vector.bitcast %add3A_57 : vector<16xf32> to vector<16xi32>
      %shift_right_logical3A = arith.constant 1 : i32
      %shift_right_logical3A_58 = vector.broadcast %shift_right_logical3A : i32 to vector<16xi32>
      %shift_right_logical3A_59 = arith.shrui %bitcast3A, %shift_right_logical3A_58 : vector<16xi32>
      %sub3A_60 = arith.constant 1597463007 : i32
      %sub3A_61 = vector.broadcast %sub3A_60 : i32 to vector<16xi32>
      %sub3A_62 = arith.subi %sub3A_61, %shift_right_logical3A_59 : vector<16xi32>
      %bitcast3A_63 = vector.bitcast %sub3A_62 : vector<16xi32> to vector<16xf32>
      %mul3A_64 = arith.constant 5.000000e-01 : f32
      %mul3A_65 = vector.broadcast %mul3A_64 : f32 to vector<16xf32>
      %mul3A_66 = arith.mulf %mul3A_65, %add3A_57 : vector<16xf32>
      %mul3A_67 = arith.mulf %mul3A_66, %bitcast3A_63 : vector<16xf32>
      %mul3A_68 = arith.mulf %mul3A_67, %bitcast3A_63 : vector<16xf32>
      %sub3A_69 = arith.constant 1.500000e+00 : f32
      %sub3A_70 = vector.broadcast %sub3A_69 : f32 to vector<16xf32>
      %sub3A_71 = arith.subf %sub3A_70, %mul3A_68 : vector<16xf32>
      %mul3A_72 = arith.mulf %bitcast3A_63, %sub3A_71 : vector<16xf32>
      %mul3A_73 = arith.mulf %mul3A_66, %mul3A_72 : vector<16xf32>
      %mul3A_74 = arith.mulf %mul3A_73, %mul3A_72 : vector<16xf32>
      %sub3A_75 = arith.constant 1.500000e+00 : f32
      %sub3A_76 = vector.broadcast %sub3A_75 : f32 to vector<16xf32>
      %sub3A_77 = arith.subf %sub3A_76, %mul3A_74 : vector<16xf32>
      %mul3A_78 = arith.mulf %mul3A_72, %sub3A_77 : vector<16xf32>
      %mul3A_79 = arith.mulf %mul3A_66, %mul3A_78 : vector<16xf32>
      %mul3A_80 = arith.mulf %mul3A_79, %mul3A_78 : vector<16xf32>
      %sub3A_81 = arith.constant 1.500000e+00 : f32
      %sub3A_82 = vector.broadcast %sub3A_81 : f32 to vector<16xf32>
      %sub3A_83 = arith.subf %sub3A_82, %mul3A_80 : vector<16xf32>
      %mul3A_84 = arith.mulf %mul3A_78, %sub3A_83 : vector<16xf32>
      %mul3A_85 = arith.mulf %add3A_57, %mul3A_84 : vector<16xf32>
      %mul3A_86 = arith.constant -1.000000e+01 : f32
      %mul3A_87 = vector.broadcast %mul3A_86 : f32 to vector<16xf32>
      %mul3A_88 = arith.mulf %mul3A_87, %mul3A_85 : vector<16xf32>
      %exp3A = math.exp %mul3A_88 : vector<16xf32>
      %mul3A_89 = arith.mulf %exp3A, %select_n3A : vector<16xf32>
      %mul3A_90 = arith.constant 32 : i32
      %mul3A_91 = arith.muli %scan3A_26, %mul3A_90 : i32
      %add3A_92 = arith.constant 0 : i32
      %add3A_93 = arith.addi %mul3A_91, %add3A_92 : i32
      %swap3A = arith.index_cast %add3A_93 : i32 to index
      %swap3A_94 = tpu.vector_load %arg7[%swap3A] {strides = array<i32>} : memref<1024xf32, #tpu.memory_space<vmem>>, vector<16xf32>,
      tpu.vector_store %arg7[%swap3A], %mul3A_89 {strides = array<i32>} : memref<1024xf32, #tpu.memory_space<vmem>>, vector<16xf32>,
      %broadcast_in_dim3A_95 = arith.constant 0.000000e+00 : f32
      %broadcast_in_dim3A_96 = vector.broadcast %broadcast_in_dim3A_95 : f32 to vector<16xf32>
      %get3A_97 = arith.constant 16 : index
      %get3A_98 = tpu.vector_load %arg6[%get3A_97] {strides = array<i32>} : memref<80xf32, #tpu.memory_space<vmem>>, vector<16xf32>,
      %sub3A_99 = arith.subf %gather3A, %get3A_98 : vector<16xf32>
      %mul3A_100 = arith.mulf %sub3A_99, %sub3A_99 : vector<16xf32>
      %add3A_101 = arith.addf %broadcast_in_dim3A_96, %mul3A_100 : vector<16xf32>
      %get3A_102 = arith.constant 37 : index
      %get3A_103 = tpu.vector_load %arg6[%get3A_102] {strides = array<i32>} : memref<80xf32, #tpu.memory_space<vmem>>, vector<16xf32>,
      %sub3A_104 = arith.subf %gather3A_38, %get3A_103 : vector<16xf32>
      %mul3A_105 = arith.mulf %sub3A_104, %sub3A_104 : vector<16xf32>
      %add3A_106 = arith.addf %add3A_101, %mul3A_105 : vector<16xf32>
      %get3A_107 = arith.constant 58 : index
      %get3A_108 = tpu.vector_load %arg6[%get3A_107] {strides = array<i32>} : memref<80xf32, #tpu.memory_space<vmem>>, vector<16xf32>,
      %sub3A_109 = arith.subf %gather3A_42, %get3A_108 : vector<16xf32>
      %mul3A_110 = arith.mulf %sub3A_109, %sub3A_109 : vector<16xf32>
      %add3A_111 = arith.addf %add3A_106, %mul3A_110 : vector<16xf32>
      %bitcast3A_112 = vector.bitcast %add3A_111 : vector<16xf32> to vector<16xi32>
      %shift_right_logical3A_113 = arith.constant 1 : i32
      %shift_right_logical3A_114 = vector.broadcast %shift_right_logical3A_113 : i32 to vector<16xi32>
      %shift_right_logical3A_115 = arith.shrui %bitcast3A_112, %shift_right_logical3A_114 : vector<16xi32>
      %sub3A_116 = arith.constant 1597463007 : i32
      %sub3A_117 = vector.broadcast %sub3A_116 : i32 to vector<16xi32>
      %sub3A_118 = arith.subi %sub3A_117, %shift_right_logical3A_115 : vector<16xi32>
      %bitcast3A_119 = vector.bitcast %sub3A_118 : vector<16xi32> to vector<16xf32>
      %mul3A_120 = arith.constant 5.000000e-01 : f32
      %mul3A_121 = vector.broadcast %mul3A_120 : f32 to vector<16xf32>
      %mul3A_122 = arith.mulf %mul3A_121, %add3A_111 : vector<16xf32>
      %mul3A_123 = arith.mulf %mul3A_122, %bitcast3A_119 : vector<16xf32>
      %mul3A_124 = arith.mulf %mul3A_123, %bitcast3A_119 : vector<16xf32>
      %sub3A_125 = arith.constant 1.500000e+00 : f32
      %sub3A_126 = vector.broadcast %sub3A_125 : f32 to vector<16xf32>
      %sub3A_127 = arith.subf %sub3A_126, %mul3A_124 : vector<16xf32>
      %mul3A_128 = arith.mulf %bitcast3A_119, %sub3A_127 : vector<16xf32>
      %mul3A_129 = arith.mulf %mul3A_122, %mul3A_128 : vector<16xf32>
      %mul3A_130 = arith.mulf %mul3A_129, %mul3A_128 : vector<16xf32>
      %sub3A_131 = arith.constant 1.500000e+00 : f32
      %sub3A_132 = vector.broadcast %sub3A_131 : f32 to vector<16xf32>
      %sub3A_133 = arith.subf %sub3A_132, %mul3A_130 : vector<16xf32>
      %mul3A_134 = arith.mulf %mul3A_128, %sub3A_133 : vector<16xf32>
      %mul3A_135 = arith.mulf %mul3A_122, %mul3A_134 : vector<16xf32>
      %mul3A_136 = arith.mulf %mul3A_135, %mul3A_134 : vector<16xf32>
      %sub3A_137 = arith.constant 1.500000e+00 : f32
      %sub3A_138 = vector.broadcast %sub3A_137 : f32 to vector<16xf32>
      %sub3A_139 = arith.subf %sub3A_138, %mul3A_136 : vector<16xf32>
      %mul3A_140 = arith.mulf %mul3A_134, %sub3A_139 : vector<16xf32>
      %mul3A_141 = arith.mulf %add3A_111, %mul3A_140 : vector<16xf32>
      %mul3A_142 = arith.constant -1.000000e+01 : f32
      %mul3A_143 = vector.broadcast %mul3A_142 : f32 to vector<16xf32>
      %mul3A_144 = arith.mulf %mul3A_143, %mul3A_141 : vector<16xf32>
      %exp3A_145 = math.exp %mul3A_144 : vector<16xf32>
      %mul3A_146 = arith.constant 32 : i32
      %mul3A_147 = arith.muli %scan3A_26, %mul3A_146 : i32
      %add3A_148 = arith.constant 16 : i32
      %add3A_149 = arith.addi %mul3A_147, %add3A_148 : i32
      %swap3A_150 = arith.index_cast %add3A_149 : i32 to index
      %swap3A_151 = tpu.vector_load %arg7[%swap3A_150] {strides = array<i32>} : memref<1024xf32, #tpu.memory_space<vmem>>, vector<16xf32>,
      tpu.vector_store %arg7[%swap3A_150], %exp3A_145 {strides = array<i32>} : memref<1024xf32, #tpu.memory_space<vmem>>, vector<16xf32>,
      %scan3A_152 = arith.constant 0 : i32
      scf.yield %scan3A_152 : i32
    }
    %scan3A_15 = arith.constant 21 : i32
    %dma_wait3A = arith.constant 0 : i32
    %dma_wait3A_16 = tpu.memref_slice %arg2[%dma_wait3A, %mul3A_2] : memref<5x16384xi32, #tpu.memory_space<hbm>> -> memref<5x1024xi32, #tpu.memory_space<hbm>>
    %dma_wait3A_17 = arith.constant 0 : i32
    %dma_wait3A_18 = tpu.memref_slice %arg2[%dma_wait3A_17, %mul3A_2] : memref<5x16384xi32, #tpu.memory_space<hbm>> -> memref<5x1024xi32, #tpu.memory_space<hbm>>
    tpu.wait_dma2 semaphore(%arg9 : memref<!tpu.dma_semaphore, #tpu.memory_space<semaphore_mem>>) src(%dma_wait3A_18 : memref<5x1024xi32, #tpu.memory_space<hbm>>) dst(%arg5 : memref<5x1024xi32, #tpu.memory_space<vmem>>)
    %scan3A_19 = arith.constant 0 : i32
    %scan3A_20 = arith.constant 0 : i32
    %scan3A_21 = arith.constant 64 : i32
    %scan3A_22 = arith.addi %scan3A_20, %scan3A_21 : i32
    %scan3A_23 = arith.constant 1 : i32
    %scan3A_24 = scf.for %scan3A_26 = %scan3A_20 to %scan3A_22 step %scan3A_23 iter_args(%scan3A_27 = %scan3A_19) -> (i32)  : i32 {
      %mul3A_28 = arith.constant 16 : i32
      %mul3A_29 = arith.muli %scan3A_26, %mul3A_28 : i32
      %get3A = arith.constant 0 : i32
      %get3A_30 = arith.index_cast %get3A : i32 to index
      %get3A_31 = arith.index_cast %mul3A_29 : i32 to index
      %get3A_32 = tpu.vector_load %arg5[%get3A_30, %get3A_31] {strides = array<i32>} : memref<5x1024xi32, #tpu.memory_space<vmem>>, vector<16xi32>,
      %mul3A_33 = arith.constant 32 : i32
      %mul3A_34 = vector.broadcast %mul3A_33 : i32 to vector<16xi32>
      %mul3A_35 = arith.muli %get3A_32, %mul3A_34 : vector<16xi32>
      %broadcast_in_dim3A_36 = arith.constant 0.000000e+00 : f32
      %broadcast_in_dim3A_37 = vector.broadcast %broadcast_in_dim3A_36 : f32 to vector<16xf32>
      %get3A_38 = arith.constant 1 : i32
      %get3A_39 = arith.index_cast %get3A_38 : i32 to index
      %get3A_40 = arith.index_cast %mul3A_29 : i32 to index
      %get3A_41 = tpu.vector_load %arg5[%get3A_39, %get3A_40] {strides = array<i32>} : memref<5x1024xi32, #tpu.memory_space<vmem>>, vector<16xi32>,
      %add3A_42 = arith.addi %mul3A_35, %get3A_41 : vector<16xi32>
      %gather3A = tpu.vector_load_idx %arg7[%add3A_42] : memref<1024xf32, #tpu.memory_space<vmem>>[vector<16xi32>], vector<16xf32>,
      %add3A_43 = arith.addf %broadcast_in_dim3A_37, %gather3A : vector<16xf32>
      %get3A_44 = arith.constant 2 : i32
      %get3A_45 = arith.index_cast %get3A_44 : i32 to index
      %get3A_46 = arith.index_cast %mul3A_29 : i32 to index
      %get3A_47 = tpu.vector_load %arg5[%get3A_45, %get3A_46] {strides = array<i32>} : memref<5x1024xi32, #tpu.memory_space<vmem>>, vector<16xi32>,
      %add3A_48 = arith.addi %mul3A_35, %get3A_47 : vector<16xi32>
      %gather3A_49 = tpu.vector_load_idx %arg7[%add3A_48] : memref<1024xf32, #tpu.memory_space<vmem>>[vector<16xi32>], vector<16xf32>,
      %add3A_50 = arith.addf %add3A_43, %gather3A_49 : vector<16xf32>
      %get3A_51 = arith.constant 3 : i32
      %get3A_52 = arith.index_cast %get3A_51 : i32 to index
      %get3A_53 = arith.index_cast %mul3A_29 : i32 to index
      %get3A_54 = tpu.vector_load %arg5[%get3A_52, %get3A_53] {strides = array<i32>} : memref<5x1024xi32, #tpu.memory_space<vmem>>, vector<16xi32>,
      %add3A_55 = arith.addi %mul3A_35, %get3A_54 : vector<16xi32>
      %gather3A_56 = tpu.vector_load_idx %arg7[%add3A_55] : memref<1024xf32, #tpu.memory_space<vmem>>[vector<16xi32>], vector<16xf32>,
      %add3A_57 = arith.addf %add3A_50, %gather3A_56 : vector<16xf32>
      %get3A_58 = arith.constant 4 : i32
      %get3A_59 = arith.index_cast %get3A_58 : i32 to index
      %get3A_60 = arith.index_cast %mul3A_29 : i32 to index
      %get3A_61 = tpu.vector_load %arg5[%get3A_59, %get3A_60] {strides = array<i32>} : memref<5x1024xi32, #tpu.memory_space<vmem>>, vector<16xi32>,
      %add3A_62 = arith.addi %mul3A_35, %get3A_61 : vector<16xi32>
      %gather3A_63 = tpu.vector_load_idx %arg7[%add3A_62] : memref<1024xf32, #tpu.memory_space<vmem>>[vector<16xi32>], vector<16xf32>,
      %add3A_64 = arith.addf %add3A_57, %gather3A_63 : vector<16xf32>
      %max3A = arith.constant 9.99999996E-13 : f32
      %max3A_65 = vector.broadcast %max3A : f32 to vector<16xf32>
      %max3A_66 = arith.maximumf %add3A_64, %max3A_65 : vector<16xf32>
      %div3A = arith.constant 1.000000e+00 : f32
      %div3A_67 = vector.broadcast %div3A : f32 to vector<16xf32>
      %div3A_68 = arith.divf %div3A_67, %max3A_66 : vector<16xf32>
      %mul3A_69 = arith.mulf %gather3A, %div3A_68 : vector<16xf32>
      %swap3A = arith.constant 0 : i32
      %swap3A_70 = arith.index_cast %swap3A : i32 to index
      %swap3A_71 = arith.index_cast %mul3A_29 : i32 to index
      %swap3A_72 = tpu.vector_load %arg8[%swap3A_70, %swap3A_71] {strides = array<i32>} : memref<4x1024xf32, #tpu.memory_space<vmem>>, vector<16xf32>,
      tpu.vector_store %arg8[%swap3A_70, %swap3A_71], %mul3A_69 {strides = array<i32>} : memref<4x1024xf32, #tpu.memory_space<vmem>>, vector<16xf32>,
      %mul3A_73 = arith.mulf %gather3A_49, %div3A_68 : vector<16xf32>
      %swap3A_74 = arith.constant 1 : i32
      %swap3A_75 = arith.index_cast %swap3A_74 : i32 to index
      %swap3A_76 = arith.index_cast %mul3A_29 : i32 to index
      %swap3A_77 = tpu.vector_load %arg8[%swap3A_75, %swap3A_76] {strides = array<i32>} : memref<4x1024xf32, #tpu.memory_space<vmem>>, vector<16xf32>,
      tpu.vector_store %arg8[%swap3A_75, %swap3A_76], %mul3A_73 {strides = array<i32>} : memref<4x1024xf32, #tpu.memory_space<vmem>>, vector<16xf32>,
      %mul3A_78 = arith.mulf %gather3A_56, %div3A_68 : vector<16xf32>
      %swap3A_79 = arith.constant 2 : i32
      %swap3A_80 = arith.index_cast %swap3A_79 : i32 to index
      %swap3A_81 = arith.index_cast %mul3A_29 : i32 to index
      %swap3A_82 = tpu.vector_load %arg8[%swap3A_80, %swap3A_81] {strides = array<i32>} : memref<4x1024xf32, #tpu.memory_space<vmem>>, vector<16xf32>,
      tpu.vector_store %arg8[%swap3A_80, %swap3A_81], %mul3A_78 {strides = array<i32>} : memref<4x1024xf32, #tpu.memory_space<vmem>>, vector<16xf32>,
      %mul3A_83 = arith.mulf %gather3A_63, %div3A_68 : vector<16xf32>
      %swap3A_84 = arith.constant 3 : i32
      %swap3A_85 = arith.index_cast %swap3A_84 : i32 to index
      %swap3A_86 = arith.index_cast %mul3A_29 : i32 to index
      %swap3A_87 = tpu.vector_load %arg8[%swap3A_85, %swap3A_86] {strides = array<i32>} : memref<4x1024xf32, #tpu.memory_space<vmem>>, vector<16xf32>,
      tpu.vector_store %arg8[%swap3A_85, %swap3A_86], %mul3A_83 {strides = array<i32>} : memref<4x1024xf32, #tpu.memory_space<vmem>>, vector<16xf32>,
      %scan3A_88 = arith.constant 0 : i32
      scf.yield %scan3A_88 : i32
    }
    %scan3A_25 = arith.constant 64 : i32
    "tpu.region"() ({
      %run_scoped3A = tpu.sem_alloc : memref<!tpu.dma_semaphore, #tpu.memory_space<semaphore_mem>>
      %dma_start3A_26 = arith.constant 0 : i32
      %dma_start3A_27 = tpu.memref_slice %arg4[%dma_start3A_26, %mul3A_2] : memref<4x16384xf32, #tpu.memory_space<hbm>> -> memref<4x1024xf32, #tpu.memory_space<hbm>>
      %dma_start3A_28 = arith.constant 0 : i32
      %dma_start3A_29 = tpu.memref_slice %arg4[%dma_start3A_28, %mul3A_2] : memref<4x16384xf32, #tpu.memory_space<hbm>> -> memref<4x1024xf32, #tpu.memory_space<hbm>>
      tpu.enqueue_dma source(%arg8 : memref<4x1024xf32, #tpu.memory_space<vmem>>) target(%dma_start3A_29 : memref<4x1024xf32, #tpu.memory_space<hbm>>) target_semaphore(%run_scoped3A : memref<!tpu.dma_semaphore, #tpu.memory_space<semaphore_mem>>)
      %dma_wait3A_30 = arith.constant 0 : i32
      %dma_wait3A_31 = tpu.memref_slice %arg4[%dma_wait3A_30, %mul3A_2] : memref<4x16384xf32, #tpu.memory_space<hbm>> -> memref<4x1024xf32, #tpu.memory_space<hbm>>
      %dma_wait3A_32 = arith.constant 0 : i32
      %dma_wait3A_33 = tpu.memref_slice %arg4[%dma_wait3A_32, %mul3A_2] : memref<4x16384xf32, #tpu.memory_space<hbm>> -> memref<4x1024xf32, #tpu.memory_space<hbm>>
      tpu.wait_dma2 semaphore(%run_scoped3A : memref<!tpu.dma_semaphore, #tpu.memory_space<semaphore_mem>>) src(%arg8 : memref<4x1024xf32, #tpu.memory_space<vmem>>) dst(%dma_wait3A_33 : memref<4x1024xf32, #tpu.memory_space<hbm>>)
      tpu.yield
    }) : () -> ()
    return
  }
}

</mosaic_0001>

<sc_bundles>
// kernel: kernel.3.cloned.1.call-start
scs
__scs_entry_jumppad:
0x0: {  	(pc) =	sbr.rel $0x88, $3  }
0x1: {  	(tag) =	ssettag $0x0;
	lr =	simm.s32 $0x1  }
0x2: {  	[smem:$0x3F9F] =	sst lr;
	_ =	strace $0xD0000000  }
0x3: {  	_ = 	snop  }
0x4: {  	_ = 	snop  }
0x5: {  	_ = 	snop  }
0x6: {  	_ = 	snop  }
0x7: {  	_ = 	snop  }
__scs_overlays_trampoline_lowered:
0x8: {  	[smem:$0x3FAE] =	sst s0  }
0x9: {  	[smem:$0x3FAF] =	sst s1  }
0xa: {  	[smem:$0x3FB0] =	sst s2  }
0xb: {  	[smem:$0x3FB1] =	sst s3  }
0xc: {  	[smem:$0x3FB2] =	sst s4  }
0xd: {  	[smem:$0x3FB3] =	sst s5  }
0xe: {  	[smem:$0x3FB4] =	sst s6  }
0xf: {  	[smem:$0x3FB5] =	sst s7  }
0x10: {  	[smem:$0x3FB6] =	sst s8  }
0x11: {  	[smem:$0x3FB7] =	sst s9;
	s0 =	simm.s32 @!p0 $0x0  }
0x12: {  	s1 =	sld [smem:$0x3F9D];
	s0 =	simm.s32 @p0 $0x1  }
0x13: {  	[smem:$0x3FB8] =	sst s0;
	s0 =	simm.s32 @!p1 $0x0  }
0x14: {  	s2 =	sld [smem:$0x3F9C];
	s0 =	simm.s32 @p1 $0x1  }
0x15: {  	[smem:$0x3FB9] =	sst s0;
	s0 =	simm.s32 @!p2 $0x0  }
0x16: {  	s3 =	sld [smem:$0x3FDB];
	s0 =	simm.s32 @p2 $0x1  }
0x17: {  	s4 =	simm.s32 $0x1BF5;
	[smem:$0x3FBB] =	sst s0  }
0x18: {  	s0 =	sld [smem:$0x3F9E];
	_ =	swait.ge [sflag:s4], $0x0  }
0x19: {  	s7 =	sld [smem:$0x3F9F]  }
0x1a: {  	s8 =	sadd.s32 $0xFFFFE003, lr  }
0x1b: {  	s9 =	sadd.s32 $0xFFFFFEF7, lr;
	s5 =	simm.s32 $0xFFFFFFFF;
	p2 =	slt.u32 s8, $0xFFFFF086  }
0x1c: {  	p1 =	slt.u32 s9, $0xF7A;
	s5 =	simm.s32 @!p2 $0x0  }
0x1d: {  	s5 =	simm.s32 @p1 $0x1;
	p0 =	seq.s32 s7, s2  }
0x1e: {  	s7 =	smul.u32 @!p0 $0xF7A, s2;
	p2 =	seq.s32 @!p0 s5, $0x0  }
0x1f: {  	s9 =	smul.u32 $0xF7A, s1;
	s8 =	simm.s32 @!p0 $0x1BF5;
	p2 =	por !p2, p0  }
0x20: {  	[sflag:s8] =	ssyncset.s32 @!p0 $0xFFFFF086;
	s6 =	sadd.s32 @!p0 s3, s7;
	s7 =	simm.s32 @!p0 $0x108  }
0x21: {  	s3 =	sadd.s32 s3, s9;
	s6 =	sadd.s32 @!p0 $0x88, s6;
	s7 =	simm.s32 @p2 $0x1082  }
0x22: {  	[simem:s7], [sflag:s8] =	dma.local @!p0 [hbm:s6], $0xF7A  }
0x23: {  	s9 =	sor.u32 $0xD0000000, s2;
	s6 =	simm.s32 $0x108;
	_ =	swait.ge @!p0 [sflag:s8], $0x0  }
0x24: {  	s3 =	sadd.s32 $0x88, s3;
	s6 =	simm.s32 @!p1 $0x1082;
	[sflag:s4] =	ssyncset.s32 $0xFFFFF086  }
0x25: {  	[simem:s6], [sflag:s4] =	dma.local [hbm:s3], $0xF7A  }
0x26: {  	[smem:$0x3F9F] =	sst s1;
	(tag) =	ssettag s2;
	_ =	strace s9  }
0x27: {  	s1 =	sld [smem:$0x3FAF]  }
0x28: {  	s2 =	sld [smem:$0x3FB0]  }
0x29: {  	s4 =	sld [smem:$0x3FB2]  }
0x2a: {  	p0 =	seq.s32 s5, $0x0;
	s5 =	sld [smem:$0x3FB3]  }
0x2b: {  	s6 =	sld [smem:$0x3FB4]  }
0x2c: {  	s7 =	sld [smem:$0x3FB5]  }
0x2d: {  	s3 =	simm.s32 $0x108;
	s8 =	sld [smem:$0x3FB6]  }
0x2e: {  	s3 =	simm.s32 @!p0 $0x1082;
	s9 =	sld [smem:$0x3FB7]  }
0x2f: {  	lr =	sadd.s32 s0, s3;
	s0 =	sld [smem:$0x3FAE]  }
0x30: {  	s3 =	sld [smem:$0x3FB1]  }
0x31: {  	[smem:$0x3FBA] =	sst s10  }
0x32: {  	s10 =	sld [smem:$0x3FB8];
	_ =	sdelay $0x3  }
0x33: {  	p0 =	seq.s32 s10, $0x1;
	s10 =	sld [smem:$0x3FBA];
	_ =	sdelay $0x3  }
0x34: {  	[smem:$0x3FBA] =	sst s10  }
0x35: {  	s10 =	sld [smem:$0x3FB9];
	_ =	sdelay $0x3  }
0x36: {  	p1 =	seq.s32 s10, $0x1;
	s10 =	sld [smem:$0x3FBA];
	_ =	sdelay $0x3  }
0x37: {  	[smem:$0x3FBA] =	sst s10  }
0x38: {  	s10 =	sld [smem:$0x3FBB]  }
0x39: {  	_ = 	snop;
	(pc) =	sbr.ind lr, $3  }
0x3a: {  	_ = 	snop  }
0x3b: {  	_ = 	snop  }
0x3c: {  	p2 =	seq.s32 s10, $0x1;
	s10 =	sld [smem:$0x3FBA]  }
0x3d: {  	_ =	shalt  }
0x3e: {  	_ =	shalt  }
0x3f: {  	_ =	shalt  }
0x40: {  	_ =	shalt  }
0x41: {  	_ =	shalt  }
0x42: {  	_ =	shalt  }
0x43: {  	_ =	shalt  }
0x44: {  	_ =	shalt  }
0x45: {  	_ =	shalt  }
0x46: {  	_ =	shalt  }
0x47: {  	_ =	shalt  }
0x48: {  	_ =	shalt  }
0x49: {  	_ =	shalt  }
0x4a: {  	_ =	shalt  }
0x4b: {  	_ =	shalt  }
0x4c: {  	_ =	shalt  }
0x4d: {  	_ =	shalt  }
0x4e: {  	_ =	shalt  }
0x4f: {  	_ =	shalt  }
0x50: {  	_ =	shalt  }
0x51: {  	_ =	shalt  }
0x52: {  	_ =	shalt  }
0x53: {  	_ =	shalt  }
0x54: {  	_ =	shalt  }
0x55: {  	_ =	shalt  }
0x56: {  	_ =	shalt  }
0x57: {  	_ =	shalt  }
0x58: {  	_ =	shalt  }
0x59: {  	_ =	shalt  }
0x5a: {  	_ =	shalt  }
0x5b: {  	_ =	shalt  }
0x5c: {  	_ =	shalt  }
0x5d: {  	_ =	shalt  }
0x5e: {  	_ =	shalt  }
0x5f: {  	_ =	shalt  }
0x60: {  	_ =	shalt  }
0x61: {  	_ =	shalt  }
0x62: {  	_ =	shalt  }
0x63: {  	_ =	shalt  }
0x64: {  	_ =	shalt  }
0x65: {  	_ =	shalt  }
0x66: {  	_ =	shalt  }
0x67: {  	_ =	shalt  }
0x68: {  	_ =	shalt  }
0x69: {  	_ =	shalt  }
0x6a: {  	_ =	shalt  }
0x6b: {  	_ =	shalt  }
0x6c: {  	_ =	shalt  }
0x6d: {  	_ =	shalt  }
0x6e: {  	_ =	shalt  }
0x6f: {  	_ =	shalt  }
0x70: {  	_ =	shalt  }
0x71: {  	_ =	shalt  }
0x72: {  	_ =	shalt  }
0x73: {  	_ =	shalt  }
0x74: {  	_ =	shalt  }
0x75: {  	_ =	shalt  }
0x76: {  	_ =	shalt  }
0x77: {  	_ =	shalt  }
0x78: {  	_ =	shalt  }
0x79: {  	_ =	shalt  }
0x7a: {  	_ =	shalt  }
0x7b: {  	_ =	shalt  }
0x7c: {  	_ =	shalt  }
0x7d: {  	_ =	shalt  }
0x7e: {  	_ =	shalt  }
0x7f: {  	_ =	shalt  }
0x80: {  	_ =	shalt  }
0x81: {  	_ =	shalt  }
0x82: {  	_ =	shalt  }
0x83: {  	_ =	shalt  }
0x84: {  	_ =	shalt  }
0x85: {  	_ =	shalt  }
0x86: {  	_ =	shalt  }
0x87: {  	_ =	shalt  }
.Lfunc_end0:
.L_simem_size_0:
called_computation_lowered:
.L_overlay_start_0:
0x88: {  	s0 =	sld [smem:$0x3FD9]  }
0x89: {  	s1 =	sld [smem:$0x3FFE];
	_ =	sdelay $0x3  }
0x8a: {  	s0 =	sadd.s32 s1, s0  }
0x8b: {  	[smem:$0x3FC6] =	sst s0  }
0x8c: {  	_ = 	snop  }
0x8d: {  	s0 =	sld [smem:$0x3FC9]  }
0x8e: {  	s16 =	sld [smem:$0x3FD0];
	(tm) =	ssettm $0x1  }
0x8f: {  	s2 =	sld [smem:$0x3FFB];
	_ =	sdelay $0x3  }
0x90: {  	_ =	strace s2  }
0x91: {  	s2 =	sld [smem:$0x3FFC];
	_ =	sdelay $0x3  }
0x92: {  	_ =	strace s2  }
0x93: {  	s2 =	sld [smem:$0x3FFD];
	_ =	sdelay $0x3  }
0x94: {  	_ =	strace s2  }
0x95: {  	_ =	strace $0x8FFFFFFF  }
0x96: {  	s17 =	sld [smem:$0x3FDB];
	_ =	sdelay $0x1  }
0x97: {  	s3 =	simm.s32 $_scs_section_size  }
0x98: {  	s4 =	simm.s32 $_size__tile_overlayer_lowered;
	s5 =	simm.s32 $_tile_overlayer_lowered  }
0x99: {  	s20 =	simm.s32 $0x1BFF;
	s19 =	sshll.u32 s5, $0x1;
	s2 =	sadd.s32 s3, s17  }
0x9a: {  	s6 =	simm.s32 $0x0;
	s18 =	sshll.u32 s4, $0x1;
	s4 =	sadd.s32 s19, s2  }
0x9b: {  	[timem:s6], [sflag:s20] =	dma.local [hbm:s4], s18  }
0x9c: {  	_ =	swait.ge [sflag:s20], s18  }
0x9d: {  	s3 =	ssub.s32 $0x0, s18;
	[sflag:s20] =	ssyncset.done $0x0  }
0x9e: {  	[sflag:s20] =	ssyncadd.s32 s3;
	_ =	sdelay $0x1  }
0x9f: {  	s21 =	simm.s32 $0x1B8B  }
0xa0: {  	_ =	swait.ge [sflag:s21], $0x1  }
0xa1: {  	[sflag:s21] =	ssyncset.done $0x0  }
0xa2: {  	s23 =	simm.s32 $0x1B8E;
	s22 =	sld [smem:$0x3FFE];
	[sflag:s21] =	ssyncadd.s32 $0xFFFFFFFF  }
0xa3: {  	s24 =	simm.s32 $execute0_lowered;
	[smem:$0x3FD2] =	sst s23  }
0xa4: {  	s4 =	sshll.u32 s24, $0x1;
	_ =	strace $0x80000046;
	[dreg:$0x1] =	wrdreg $0xFFFFFFFF  }
0xa5: {  	s25 =	simm.s32 $_size_execute0_lowered;
	s2 =	sadd.s32 s2, s4;
	[dreg:$0x0] =	wrdreg $0x0  }
0xa6: {  	s4 =	sshll.u32 s25, $0x1;
	[dreg:$0x2] =	wrdreg s2  }
0xa7: {  	[dreg:$0x3] =	wrdreg s4  }
0xa8: {  	[dreg:$0x4] =	wrdreg $0xC0  }
0xa9: {  	_ =	task [dreg:s6], $0x5FFFF  }
0xaa: {  	[dreg:$0x1] =	wrdreg $0xFFFFFFFF  }
0xab: {  	[dreg:$0x0] =	wrdreg $0x60  }
0xac: {  	[dreg:$0x2] =	wrdreg s0  }
0xad: {  	[dreg:$0x3] =	wrdreg s22  }
0xae: {  	[dreg:$0x4] =	wrdreg s16  }
0xaf: {  	[dreg:$0x5] =	wrdreg $0x9  }
0xb0: {  	_ =	task.clear_ibuf [dreg:s6], $0x6FFFF;
	_ =	strace $0x90000046  }
0xb1: {  	s26 =	simm.s32 $0x9;
	_ =	strace $0x80000048  }
0xb2: {  	_ =	swait.ge [sflag:s26], $0x1  }
0xb3: {  	[sflag:s26] =	ssyncadd.s32 $0xFFFFFFFF  }
0xb4: {  	_ =	strace $0x90000048  }
0xb5: {  	_ =	sfence  }
0xb6: {  	s28 =	sld [smem:$0x0];
	_ =	sdelay $0x1  }
0xb7: {  	s29 =	srdreg.scid  }
0xb8: {  	s30 =	sshll.u32 s29, $0xD;
	s31 =	sshrl.u32 s29, $0x2  }
0xb9: {  	s1 =	sand.u32 $0x1, s29;
	s2 =	sand.u32 $0x4000, s30;
	s0 =	sadd.s32 s31, s28  }
0xba: {  	s1 =	sor.u32 s2, s1;
	s0 =	sshll.u32 s0, $0x11  }
0xbb: {  	s0 =	sor.u32 s0, s1  }
0xbc: {  	s0 =	sadd.s32 $0x8F2B, s0  }
0xbd: {  	[sflag:s0] =	ssyncadd.remote.s32 $0x1  }
0xbe: {  	_ =	sfence.sel $0xFFFF  }
0xbf: {  	[dreg:$0x0] =	wrdreg $0xFFFFFFFF;
	(pc) =	sbr.abs _section_cstart, $3  }
0xc0: {  	[dreg:$0x1] =	wrdreg $0xFFFFFFFF  }
0xc1: {  	_ =	task.clear_ibuf [dreg:s6], $0x2FFFF;
	_ =	strace $0x9FFFFFFF  }
0xc2: {  	(tm) =	ssettm $0x7FFFFFFF  }
0xc3: {  	_ =	shalt  }
tec
execute0_lowered:
.L_overlay_start_1:
0x0: {  	(tag) =	ssettag $0x1  }
0x1: {  	s3 =	rddreg [dreg:$0x0]  }
0x2: {  	s4 =	rddreg [dreg:$0x1]  }
0x3: {  	s2 =	rddreg [dreg:$0x2];
	s5 =	simm.s32 $0x0;
	s1 =	stileid.u32  }
0x4: {  	[smem:$0x7FF] =	sst s5;
	s6 =	sshll.u32 s1, $0xA  }
0x5: {  	s0 =	rddreg [dreg:$0x3];
	_ =	strace $0x80000047;
	s3 =	sadd.s32 s3, s6  }
0x6: {  	[tilespmem:s5], [sflag:$0x1] =	stream.linear.gather [hbm4b:s3+s5], $0x2000, $0x38;
	[tilespmem:$0x3480] =	vst v63  }
0x7: {  	s30 =	simm.s32 $0x2;
	s4 =	sadd.s32 $0x600, s4;
	s3 =	simm.s32 $0x2000  }
0x8: {  	v0 =	vmov s5;
	[tilespmem:s3], [sflag:$0x2] =	stream.linear.gather [hbm4b:s4+s5], $0x3F, $0x38;
	[tilespmem:$0x3480] =	vst v63  }
0x9: {  	v1 =	vadd.s32 $0x15, v0;
	_ =	swait.ge [sflag:s30], $0x3F  }
0xa: {  	[sflag:s30] =	ssyncset.done $0x0  }
0xb: {  	v2 =	vadd.s32 $0x2A, v0;
	[sflag:s30] =	ssyncadd.s32 $0xFFFFFFC1  }
0xc: {  	v3 =	vld [tilespmem:$0x2000]  }
0xd: {  	v4 =	vld.idx.msk [tilespmem:v0+s3+$0x0], $0xffff  }
0xe: {  	v1 =	vld.idx.msk [tilespmem:v1+s3+$0x0], $0xffff  }
0xf: {  	v0 =	vld [tilespmem:$0x2015]  }
0x10: {  	v2 =	vld.idx.msk [tilespmem:v2+s3+$0x0], $0xffff  }
0x11: {  	v5 =	vld [tilespmem:$0x202A];
	_ =	sdelay $0x2  }
0x12: {  	v3 =	vsub.f32 v4, v3;
	v0 =	vsub.f32 v1, v0;
	_ =	sdelay $0x1  }
0x13: {  	v5 =	vsub.f32 v2, v5;
	v3 =	vmul.f32 v3, v3;
	v0 =	vmul.f32 v0, v0;
	_ =	sdelay $0x1  }
0x14: {  	v0 =	vadd.f32 v0, v3;
	v3 =	vmul.f32 v5, v5;
	_ =	sdelay $0x1  }
0x15: {  	v0 =	vadd.f32 v3, v0;
	_ =	sdelay $0x1  }
0x16: {  	v3 =	vshrl.u32 v0, $0x1;
	v5 =	vmul.f32 $5.000000000e-01, v0  }
0x17: {  	v3 =	vsub.s32 $0x5F3759DF, v3  }
0x18: {  	v6 =	vmul.f32 v3, v5;
	_ =	sdelay $0x1  }
0x19: {  	v6 =	vmul.f32 v3, v6;
	_ =	sdelay $0x1  }
0x1a: {  	v6 =	vsub.f32 $1.500000000e+00, v6;
	_ =	sdelay $0x1  }
0x1b: {  	v3 =	vmul.f32 v3, v6;
	_ =	sdelay $0x1  }
0x1c: {  	v6 =	vmul.f32 v3, v5;
	_ =	sdelay $0x1  }
0x1d: {  	v6 =	vmul.f32 v6, v3;
	_ =	sdelay $0x1  }
0x1e: {  	v6 =	vsub.f32 $1.500000000e+00, v6;
	_ =	sdelay $0x1  }
0x1f: {  	v3 =	vmul.f32 v6, v3;
	_ =	sdelay $0x1  }
0x20: {  	v5 =	vmul.f32 v3, v5;
	_ =	sdelay $0x1  }
0x21: {  	v5 =	vmul.f32 v5, v3;
	_ =	sdelay $0x1  }
0x22: {  	v5 =	vsub.f32 $1.500000000e+00, v5;
	_ =	sdelay $0x1  }
0x23: {  	v3 =	vmul.f32 v5, v3;
	_ =	sdelay $0x1  }
0x24: {  	v0 =	vmul.f32 v3, v0;
	_ =	sdelay $0x1  }
0x25: {  	v0 =	vmul.f32 $-1.000000000e+01, v0;
	_ =	sdelay $0x1  }
0x26: {  	v0 =	vmul.f32 $1.442695020e+00, v0;
	_ =	sdelay $0x1  }
0x27: {  	(erf) = vpow2.f32 v0;
	_ =	sdelay $0x7  }
0x28: {  	vm0 =	vcmask $0x300;
	v0 =	vimm.f32 $1.000000000e+00  }
0x29: {  	v0 =	vsel vm0, $0x0, v0;
	v3 =	vpop (erf)  }
0x2a: {  	v3 =	vmul.f32 v0, v3  }
0x2b: {  	s4 =	simm.s32 $0x2090  }
0x2c: {  	[tilespmem:s4+$0xFFFFFFF0] =	vst v3  }
0x2d: {  	v3 =	vld [tilespmem:$0x2010]  }
0x2e: {  	v5 =	vld [tilespmem:$0x2025];
	_ =	sdelay $0x1  }
0x2f: {  	v63 =	vld [tilespmem:$0x203A];
	_ =	sdelay $0x2  }
0x30: {  	v3 =	vsub.f32 v4, v3;
	v1 =	vsub.f32 v1, v5;
	_ =	sdelay $0x1  }
0x31: {  	v2 =	vsub.f32 v2, v63;
	v3 =	vmul.f32 v3, v3;
	v1 =	vmul.f32 v1, v1;
	_ =	sdelay $0x1  }
0x32: {  	v2 =	vmul.f32 v2, v2;
	v1 =	vadd.f32 v1, v3;
	_ =	sdelay $0x1  }
0x33: {  	v1 =	vadd.f32 v2, v1;
	_ =	sdelay $0x1  }
0x34: {  	v2 =	vshrl.u32 v1, $0x1;
	v3 =	vmul.f32 $5.000000000e-01, v1  }
0x35: {  	v2 =	vsub.s32 $0x5F3759DF, v2  }
0x36: {  	v4 =	vmul.f32 v2, v3;
	_ =	sdelay $0x1  }
0x37: {  	v4 =	vmul.f32 v2, v4;
	_ =	sdelay $0x1  }
0x38: {  	v4 =	vsub.f32 $1.500000000e+00, v4;
	_ =	sdelay $0x1  }
0x39: {  	v2 =	vmul.f32 v2, v4;
	_ =	sdelay $0x1  }
0x3a: {  	v4 =	vmul.f32 v2, v3;
	_ =	sdelay $0x1  }
0x3b: {  	v4 =	vmul.f32 v4, v2;
	_ =	sdelay $0x1  }
0x3c: {  	v4 =	vsub.f32 $1.500000000e+00, v4;
	_ =	sdelay $0x1  }
0x3d: {  	v2 =	vmul.f32 v4, v2;
	_ =	sdelay $0x1  }
0x3e: {  	v3 =	vmul.f32 v2, v3;
	_ =	sdelay $0x1  }
0x3f: {  	v3 =	vmul.f32 v3, v2;
	_ =	sdelay $0x1  }
0x40: {  	v3 =	vsub.f32 $1.500000000e+00, v3;
	_ =	sdelay $0x1  }
0x41: {  	v2 =	vmul.f32 v3, v2;
	_ =	sdelay $0x1  }
0x42: {  	v1 =	vmul.f32 v2, v1;
	_ =	sdelay $0x1  }
0x43: {  	v1 =	vmul.f32 $-1.000000000e+01, v1;
	_ =	sdelay $0x1  }
0x44: {  	v1 =	vmul.f32 $1.442695020e+00, v1;
	_ =	sdelay $0x1  }
0x45: {  	(erf) = vpow2.f32 v1;
	_ =	sdelay $0x4  }
0x46: {  	s31 =	simm.s32 $0x1  }
0x47: {  	v2 =	vmov s31  }
0x48: {  	s6 =	simm.s32 $0x2090;
	s5 =	simm.s32 $0x2;
	v3 =	vadd.s32 $0x15, v2;
	v1 =	vadd.s32 $0x2A, v2  }
.LBB2_1:
0x49: {  	p0 =	sne.s32 s5, $0x14  }
0x4a: {  	s4 =	sadd.s32 $0x20, s4;
	v4 =	vpop (erf);
	s7 =	smov.u32 s5;
	s5 =	sadd.s32 $0x1, s5  }
0x4b: {  	[tilespmem:s6+$0x0] =	vst v4;
	s6 =	smov.u32 s4  }
0x4c: {  	v4 =	vld [tilespmem:$0x2000]  }
0x4d: {  	v2 =	vld.idx.msk [tilespmem:v2+s3+$0x0], $0xffff  }
0x4e: {  	v3 =	vld.idx.msk [tilespmem:v3+s3+$0x0], $0xffff  }
0x4f: {  	v5 =	vld [tilespmem:$0x2015]  }
0x50: {  	v1 =	vld.idx.msk [tilespmem:v1+s3+$0x0], $0xffff  }
0x51: {  	v6 =	vld [tilespmem:$0x202A];
	_ =	sdelay $0x1  }
0x52: {  	v4 =	vsub.f32 v2, v4  }
0x53: {  	v5 =	vsub.f32 v3, v5;
	_ =	sdelay $0x1  }
0x54: {  	v4 =	vmul.f32 v4, v4;
	v5 =	vmul.f32 v5, v5;
	v6 =	vsub.f32 v1, v6;
	_ =	sdelay $0x1  }
0x55: {  	v4 =	vadd.f32 v5, v4;
	v5 =	vmul.f32 v6, v6;
	_ =	sdelay $0x1  }
0x56: {  	v4 =	vadd.f32 v5, v4;
	_ =	sdelay $0x1  }
0x57: {  	v5 =	vshrl.u32 v4, $0x1;
	v6 =	vmul.f32 $5.000000000e-01, v4  }
0x58: {  	v5 =	vsub.s32 $0x5F3759DF, v5  }
0x59: {  	v7 =	vmul.f32 v5, v6;
	_ =	sdelay $0x1  }
0x5a: {  	v7 =	vmul.f32 v5, v7;
	_ =	sdelay $0x1  }
0x5b: {  	v7 =	vsub.f32 $1.500000000e+00, v7;
	_ =	sdelay $0x1  }
0x5c: {  	v5 =	vmul.f32 v5, v7;
	_ =	sdelay $0x1  }
0x5d: {  	v7 =	vmul.f32 v5, v6;
	_ =	sdelay $0x1  }
0x5e: {  	v7 =	vmul.f32 v7, v5;
	_ =	sdelay $0x1  }
0x5f: {  	v7 =	vsub.f32 $1.500000000e+00, v7;
	_ =	sdelay $0x1  }
0x60: {  	v5 =	vmul.f32 v7, v5;
	_ =	sdelay $0x1  }
0x61: {  	v6 =	vmul.f32 v5, v6;
	_ =	sdelay $0x1  }
0x62: {  	v6 =	vmul.f32 v6, v5;
	_ =	sdelay $0x1  }
0x63: {  	v6 =	vsub.f32 $1.500000000e+00, v6;
	_ =	sdelay $0x1  }
0x64: {  	v5 =	vmul.f32 v6, v5;
	_ =	sdelay $0x1  }
0x65: {  	v4 =	vmul.f32 v5, v4;
	_ =	sdelay $0x1  }
0x66: {  	v4 =	vmul.f32 $-1.000000000e+01, v4;
	_ =	sdelay $0x1  }
0x67: {  	v4 =	vmul.f32 $1.442695020e+00, v4;
	_ =	sdelay $0x1  }
0x68: {  	(erf) = vpow2.f32 v4;
	_ =	sdelay $0x8  }
0x69: {  	v4 =	vpop (erf)  }
0x6a: {  	v4 =	vmul.f32 v0, v4;
	_ =	sdelay $0x1  }
0x6b: {  	[tilespmem:s4+$0xFFFFFFF0] =	vst v4  }
0x6c: {  	v4 =	vld [tilespmem:$0x2010]  }
0x6d: {  	v5 =	vld [tilespmem:$0x2025]  }
0x6e: {  	v6 =	vld [tilespmem:$0x203A];
	_ =	sdelay $0x2  }
0x6f: {  	v2 =	vsub.f32 v2, v4  }
0x70: {  	v3 =	vsub.f32 v3, v5  }
0x71: {  	v2 =	vmul.f32 v2, v2;
	v1 =	vsub.f32 v1, v6  }
0x72: {  	v3 =	vmul.f32 v3, v3  }
0x73: {  	v1 =	vmul.f32 v1, v1  }
0x74: {  	v2 =	vadd.f32 v3, v2;
	_ =	sdelay $0x1  }
0x75: {  	v1 =	vadd.f32 v1, v2;
	_ =	sdelay $0x1  }
0x76: {  	v2 =	vshrl.u32 v1, $0x1;
	v3 =	vmul.f32 $5.000000000e-01, v1  }
0x77: {  	v2 =	vsub.s32 $0x5F3759DF, v2  }
0x78: {  	v4 =	vmul.f32 v2, v3;
	_ =	sdelay $0x1  }
0x79: {  	v4 =	vmul.f32 v2, v4;
	_ =	sdelay $0x1  }
0x7a: {  	v4 =	vsub.f32 $1.500000000e+00, v4;
	_ =	sdelay $0x1  }
0x7b: {  	v2 =	vmul.f32 v2, v4;
	_ =	sdelay $0x1  }
0x7c: {  	v4 =	vmul.f32 v2, v3;
	_ =	sdelay $0x1  }
0x7d: {  	v4 =	vmul.f32 v4, v2;
	_ =	sdelay $0x1  }
0x7e: {  	v4 =	vsub.f32 $1.500000000e+00, v4;
	_ =	sdelay $0x1  }
0x7f: {  	v2 =	vmul.f32 v4, v2;
	_ =	sdelay $0x1  }
0x80: {  	v3 =	vmul.f32 v2, v3;
	_ =	sdelay $0x1  }
0x81: {  	v3 =	vmul.f32 v3, v2;
	_ =	sdelay $0x1  }
0x82: {  	v3 =	vsub.f32 $1.500000000e+00, v3;
	_ =	sdelay $0x1  }
0x83: {  	v2 =	vmul.f32 v3, v2;
	_ =	sdelay $0x1  }
0x84: {  	v1 =	vmul.f32 v2, v1;
	_ =	sdelay $0x1  }
0x85: {  	v1 =	vmul.f32 $-1.000000000e+01, v1;
	_ =	sdelay $0x1  }
0x86: {  	v1 =	vmul.f32 $1.442695020e+00, v1;
	_ =	sdelay $0x1  }
0x87: {  	(erf) = vpow2.f32 v1;
	_ =	sdelay $0x3  }
.Ltmp0:
0x88: {  	(pc) =	sbr.rel @p0 .LBB2_1-.Ltmp0, $3  }
0x89: {  	_ =	sdelay $0x1  }
0x8a: {  	v2 =	vmov s7  }
0x8b: {  	v3 =	vadd.s32 $0x15, v2;
	v1 =	vadd.s32 $0x2A, v2  }
0x8c: {  	_ = 	snop  }
0x8d: {  	v4 =	vpop (erf)  }
0x8e: {  	[tilespmem:s6+$0x0] =	vst v4  }
0x8f: {  	v4 =	vld [tilespmem:$0x2000]  }
0x90: {  	v2 =	vld.idx.msk [tilespmem:v2+s3+$0x0], $0xffff  }
0x91: {  	v3 =	vld.idx.msk [tilespmem:v3+s3+$0x0], $0xffff  }
0x92: {  	v5 =	vld [tilespmem:$0x2015]  }
0x93: {  	v1 =	vld.idx.msk [tilespmem:v1+s3+$0x0], $0xffff  }
0x94: {  	v6 =	vld [tilespmem:$0x202A];
	_ =	sdelay $0x2  }
0x95: {  	v4 =	vsub.f32 v2, v4;
	v5 =	vsub.f32 v3, v5;
	_ =	sdelay $0x1  }
0x96: {  	v6 =	vsub.f32 v1, v6;
	v4 =	vmul.f32 v4, v4;
	v5 =	vmul.f32 v5, v5;
	_ =	sdelay $0x1  }
0x97: {  	v4 =	vadd.f32 v5, v4;
	v5 =	vmul.f32 v6, v6;
	_ =	sdelay $0x1  }
0x98: {  	v4 =	vadd.f32 v5, v4;
	_ =	sdelay $0x1  }
0x99: {  	v5 =	vshrl.u32 v4, $0x1;
	v63 =	vmul.f32 $5.000000000e-01, v4  }
0x9a: {  	v5 =	vsub.s32 $0x5F3759DF, v5  }
0x9b: {  	v7 =	vmul.f32 v5, v63;
	_ =	sdelay $0x1  }
0x9c: {  	v7 =	vmul.f32 v5, v7;
	_ =	sdelay $0x1  }
0x9d: {  	v7 =	vsub.f32 $1.500000000e+00, v7;
	_ =	sdelay $0x1  }
0x9e: {  	v5 =	vmul.f32 v5, v7;
	_ =	sdelay $0x1  }
0x9f: {  	v7 =	vmul.f32 v5, v63;
	_ =	sdelay $0x1  }
0xa0: {  	v7 =	vmul.f32 v7, v5;
	_ =	sdelay $0x1  }
0xa1: {  	v7 =	vsub.f32 $1.500000000e+00, v7;
	_ =	sdelay $0x1  }
0xa2: {  	v5 =	vmul.f32 v7, v5;
	_ =	sdelay $0x1  }
0xa3: {  	v6 =	vmul.f32 v5, v63;
	_ =	sdelay $0x1  }
0xa4: {  	v6 =	vmul.f32 v6, v5;
	_ =	sdelay $0x1  }
0xa5: {  	v6 =	vsub.f32 $1.500000000e+00, v6;
	_ =	sdelay $0x1  }
0xa6: {  	v5 =	vmul.f32 v6, v5;
	_ =	sdelay $0x1  }
0xa7: {  	v4 =	vmul.f32 v5, v4;
	_ =	sdelay $0x1  }
0xa8: {  	v4 =	vmul.f32 $-1.000000000e+01, v4;
	_ =	sdelay $0x1  }
0xa9: {  	v4 =	vmul.f32 $1.442695020e+00, v4;
	_ =	sdelay $0x1  }
0xaa: {  	(erf) = vpow2.f32 v4;
	_ =	sdelay $0x8  }
0xab: {  	v4 =	vpop (erf)  }
0xac: {  	v0 =	vmul.f32 v0, v4  }
0xad: {  	s29 =	sadd.s32 $0x20, s4  }
0xae: {  	[tilespmem:s29+$0xFFFFFFF0] =	vst v0  }
0xaf: {  	v0 =	vld [tilespmem:$0x2010]  }
0xb0: {  	v4 =	vld [tilespmem:$0x2025];
	_ =	sdelay $0x1  }
0xb1: {  	v5 =	vld [tilespmem:$0x203A];
	_ =	sdelay $0x2  }
0xb2: {  	v0 =	vsub.f32 v2, v0;
	v2 =	vsub.f32 v3, v4;
	_ =	sdelay $0x1  }
0xb3: {  	v1 =	vsub.f32 v1, v5;
	v0 =	vmul.f32 v0, v0;
	v2 =	vmul.f32 v2, v2;
	_ =	sdelay $0x1  }
0xb4: {  	v1 =	vmul.f32 v1, v1;
	v0 =	vadd.f32 v2, v0;
	_ =	sdelay $0x1  }
0xb5: {  	v0 =	vadd.f32 v1, v0;
	_ =	sdelay $0x1  }
0xb6: {  	v1 =	vshrl.u32 v0, $0x1;
	v2 =	vmul.f32 $5.000000000e-01, v0  }
0xb7: {  	v1 =	vsub.s32 $0x5F3759DF, v1  }
0xb8: {  	v3 =	vmul.f32 v1, v2;
	_ =	sdelay $0x1  }
0xb9: {  	v3 =	vmul.f32 v1, v3;
	_ =	sdelay $0x1  }
0xba: {  	v3 =	vsub.f32 $1.500000000e+00, v3;
	_ =	sdelay $0x1  }
0xbb: {  	v1 =	vmul.f32 v1, v3;
	_ =	sdelay $0x1  }
0xbc: {  	v3 =	vmul.f32 v1, v2;
	_ =	sdelay $0x1  }
0xbd: {  	v3 =	vmul.f32 v3, v1;
	_ =	sdelay $0x1  }
0xbe: {  	v3 =	vsub.f32 $1.500000000e+00, v3;
	_ =	sdelay $0x1  }
0xbf: {  	v1 =	vmul.f32 v3, v1;
	_ =	sdelay $0x1  }
0xc0: {  	v2 =	vmul.f32 v1, v2;
	_ =	sdelay $0x1  }
0xc1: {  	v2 =	vmul.f32 v2, v1;
	_ =	sdelay $0x1  }
0xc2: {  	v2 =	vsub.f32 $1.500000000e+00, v2;
	_ =	sdelay $0x1  }
0xc3: {  	v1 =	vmul.f32 v2, v1;
	_ =	sdelay $0x1  }
0xc4: {  	v0 =	vmul.f32 v1, v0;
	_ =	sdelay $0x1  }
0xc5: {  	v0 =	vmul.f32 $-1.000000000e+01, v0;
	_ =	sdelay $0x1  }
0xc6: {  	v0 =	vmul.f32 $1.442695020e+00, v0;
	_ =	sdelay $0x1  }
0xc7: {  	(erf) = vpow2.f32 v0;
	_ =	sdelay $0x8  }
0xc8: {  	v0 =	vpop (erf)  }
0xc9: {  	s5 =	simm.s32 $0x1;
	[tilespmem:s29+$0x0] =	vst v0  }
0xca: {  	s4 =	simm.s32 $0x0;
	s30 =	simm.s32 $0x0;
	_ =	swait.ge [sflag:s5], $0x2000  }
0xcb: {  	s6 =	sand.u32 $0x3FFFFC00, s30;
	s3 =	sand.u32 $0x70, s4;
	[sflag:s5] =	ssyncset.done $0x0  }
0xcc: {  	s31 =	sor.u32 s3, s6;
	[sflag:s5] =	ssyncadd.s32 $0xFFFFE000  }
0xcd: {  	v0 =	vld [tilespmem:s31+$0x0]  }
0xce: {  	v1 =	vld [tilespmem:s31+$0x80];
	_ =	sdelay $0x1  }
0xcf: {  	v2 =	vld [tilespmem:s31+$0x100];
	_ =	sdelay $0x1  }
0xd0: {  	v3 =	vld [tilespmem:s31+$0x180];
	v0 =	vshll.u32 v0, $0x5  }
0xd1: {  	v1 =	vadd.s32 v1, v0  }
0xd2: {  	v4 =	vld [tilespmem:s31+$0x200]  }
0xd3: {  	v5 =	vadd.s32 v0, v2;
	_ =	sdelay $0x1  }
0xd4: {  	s5 =	simm.s32 $0x2080;
	v3 =	vadd.s32 v0, v3  }
0xd5: {  	v2 =	vld.idx.msk [tilespmem:v1+s5+$0x0], $0xffff  }
0xd6: {  	v4 =	vadd.s32 v0, v4  }
0xd7: {  	v0 =	vld.idx.msk [tilespmem:v5+s5+$0x0], $0xffff;
	_ =	sdelay $0x1  }
0xd8: {  	v1 =	vld.idx.msk [tilespmem:v3+s5+$0x0], $0xffff  }
0xd9: {  	v5 =	vadd.f32 $0.0e+00, v2  }
0xda: {  	v3 =	vld.idx.msk [tilespmem:v4+s5+$0x0], $0xffff  }
0xdb: {  	v4 =	vadd.f32 v0, v5;
	_ =	sdelay $0x1  }
0xdc: {  	v4 =	vadd.f32 v1, v4;
	_ =	sdelay $0x1  }
0xdd: {  	v4 =	vadd.f32 v3, v4;
	_ =	sdelay $0x1  }
0xde: {  	v4 =	vmax.f32 v4, $9.999999960e-13  }
0xdf: {  	s7 =	simm.s32 $0x0;
	s6 =	simm.s32 $0x1;
	(erf) = vrcp.f32 v4  }
.LBB2_3:
0xe0: {  	_ =	sdelay $0x7  }
0xe1: {  	p0 =	sne.s32 s6, $0x3F;
	s4 =	sshll.u32 s4, $0x6;
	s7 =	sadd.s32 $0x10, s7;
	v4 =	vpop (erf)  }
0xe2: {  	s8 =	sand.u32 $0x3FFFFE00, s4;
	s4 =	smov.u32 s6;
	s6 =	sadd.s32 $0x1, s6;
	v2 =	vmul.f32 v4, v2;
	v0 =	vmul.f32 v4, v0  }
0xe3: {  	s8 =	sor.u32 s3, s8;
	v1 =	vmul.f32 v4, v1;
	v3 =	vmul.f32 v4, v3  }
0xe4: {  	s9 =	sshll.u32 s4, $0x7;
	[tilespmem:s8+$0x2480] =	vst v2  }
0xe5: {  	s3 =	sand.u32 $0x70, s7;
	s9 =	sand.u32 $0x3FFFFC00, s9;
	[tilespmem:s8+$0x2580] =	vst v1  }
0xe6: {  	s9 =	sor.u32 s3, s9;
	[tilespmem:s8+$0x2500] =	vst v0  }
0xe7: {  	[tilespmem:s8+$0x2600] =	vst v3  }
0xe8: {  	v0 =	vld [tilespmem:s9+$0x180]  }
0xe9: {  	v1 =	vld [tilespmem:s9+$0x80]  }
0xea: {  	v2 =	vld [tilespmem:s9+$0x0]  }
0xeb: {  	v3 =	vld [tilespmem:s9+$0x100]  }
0xec: {  	v4 =	vld [tilespmem:s9+$0x200];
	_ =	sdelay $0x2  }
0xed: {  	v2 =	vshll.u32 v2, $0x5  }
0xee: {  	v1 =	vadd.s32 v1, v2;
	v3 =	vadd.s32 v2, v3;
	v5 =	vadd.s32 v2, v0  }
0xef: {  	v4 =	vadd.s32 v2, v4;
	_ =	sdelay $0x3  }
0xf0: {  	v2 =	vld.idx.msk [tilespmem:v1+s5+$0x0], $0xffff;
	_ =	sdelay $0x1  }
0xf1: {  	v0 =	vld.idx.msk [tilespmem:v3+s5+$0x0], $0xffff;
	_ =	sdelay $0x1  }
0xf2: {  	v1 =	vld.idx.msk [tilespmem:v5+s5+$0x0], $0xffff;
	_ =	sdelay $0x1  }
0xf3: {  	v5 =	vadd.f32 $0.0e+00, v2;
	v3 =	vld.idx.msk [tilespmem:v4+s5+$0x0], $0xffff;
	_ =	sdelay $0x1  }
0xf4: {  	v4 =	vadd.f32 v0, v5;
	_ =	sdelay $0x1  }
0xf5: {  	v4 =	vadd.f32 v1, v4  }
.Ltmp1:
0xf6: {  	(pc) =	sbr.rel @p0 .LBB2_3-.Ltmp1, $3  }
0xf7: {  	v4 =	vadd.f32 v3, v4;
	_ =	sdelay $0x1  }
0xf8: {  	v4 =	vmax.f32 v4, $9.999999960e-13  }
0xf9: {  	(erf) = vrcp.f32 v4  }
0xfa: {  	_ =	sdelay $0x7  }
0xfb: {  	s4 =	sshll.u32 s4, $0x6;
	v4 =	vpop (erf)  }
0xfc: {  	s4 =	sand.u32 $0x3FFFFE00, s4;
	v2 =	vmul.f32 v4, v2  }
0xfd: {  	s3 =	sor.u32 s3, s4;
	v1 =	vmul.f32 v4, v1  }
0xfe: {  	v0 =	vmul.f32 v4, v0;
	[tilespmem:s3+$0x2480] =	vst v2  }
0xff: {  	v63 =	vmul.f32 v4, v3;
	[tilespmem:s3+$0x2580] =	vst v1  }
0x100: {  	s28 =	sshll.u32 s1, $0x9;
	s29 =	simm.s32 $0x0;
	[tilespmem:s3+$0x2500] =	vst v0  }
0x101: {  	s30 =	simm.s32 $0x2480;
	s31 =	simm.s32 $0x2;
	s2 =	sadd.s32 s2, s28;
	[tilespmem:s3+$0x2600] =	vst v63  }
0x102: {  	[hbm4b:s2+s29] =	stream.linear.scatter [tilespmem:s30], [sflag:$0x2], $0x1000, $0x38;
	[tilespmem:$0x3480] =	vst v63  }
0x103: {  	_ =	swait.ge [sflag:s31], $0x1000  }
0x104: {  	[sflag:s31] =	ssyncset.done $0x0  }
0x105: {  	[sflag:s31] =	ssyncadd.s32 $0xFFFFF000  }
0x106: {  	_ =	sfence.sel $0x180000  }
0x107: {  	[bflag:$0x0] =	sbarrier.arrive $0xFFFF  }
0x108: {  	p0 =	sne.s32 s1, $0x0;
	_ =	strace $0x90000047  }
0x109: {  	s0 =	sadd.s32 @!p0 $0x100000, s0;
	[bflag:$0x2] =	sbarrier.arrive $0xFFFF  }
0x10a: {  	[sflag:s0] =	ssyncadd.tile.s32 @!p0 $0x1;
	_ =	shalt  }
.Lfunc_end2:
_tile_overlayer_lowered:
.L_overlay_start_2:
0x10b: {  	(tag) =	ssettag $0x2  }
0x10c: {  	s0 =	rddreg [dreg:$0x0];
	s2 =	stileid.u32  }
0x10d: {  	s1 =	rddreg [dreg:$0x1];
	p0 =	sne.s32 s2, $0x0  }
0x10e: {  	s3 =	rddreg [dreg:$0x2];
	[bflag:$0x3] =	sbarrier.arrive $0xFFFF;
	s2 =	simm.s32 @!p0 $0x1C02  }
0x10f: {  	[timem:s3], [sflag:s2] =	dma.local @!p0 [hbm:s0], s1  }
0x110: {  	s0 =	simm.s32 @!p0 $0x2  }
0x111: {  	_ =	swait.ge @!p0 [sflag:s0], s1  }
0x112: {  	s1 =	ssub.s32 @!p0 $0x0, s1;
	[sflag:s0] =	ssyncset.done @!p0 $0x0  }
0x113: {  	[sflag:s0] =	ssyncadd.s32 @!p0 s1  }
0x114: {  	[bflag:$0x3] =	sbarrier.arrive $0xFFFF  }
0x115: {  	_ =	shalt  }

</sc_bundles>
